<compile_context>
chip_gen: v7x
topology: tpu7x:2x2x1
jax: 0.10.2.dev20260603
libtpu: 0.0.44.dev20260713+nightly
codegen_flags: <defaults>
</compile_context>

<pallas_src>
import functools

import jax
import jax.numpy as jnp
from jax import lax
from jax.experimental import pallas as pl
from jax.experimental.pallas import tpu as pltpu
from jax.experimental.pallas import tpu_sc as plsc

_C = 768
_K = 200
_SEL = 128
_S = 576
_SP = 640


def _compute_body(xt_ref, w_ref, b_ref, key_ref,
                  preds1_ref, preds0_ref, gidx_ref):
    n = pl.program_id(0)
    x_n = xt_ref[0]
    w = w_ref[...]
    logits = lax.dot_general(
        x_n, w, (((1,), (1,)), ((), ())),
        preferred_element_type=jnp.float32)
    logits = logits + b_ref[...]

    key_col = key_ref[0]

    keyp = jnp.concatenate(
        [key_col, jnp.full((_SP - _S, 1), -1e30, jnp.float32)], axis=0)

    ii = lax.broadcasted_iota(jnp.int32, (_SP, _SP), 0)
    jj = lax.broadcasted_iota(jnp.int32, (_SP, _SP), 1)
    eye = (ii == jj).astype(jnp.float32)
    key_row = lax.dot_general(
        keyp, eye, (((0,), (0,)), ((), ())),
        precision=lax.Precision.HIGHEST,
        preferred_element_type=jnp.float32)

    gt = key_row > keyp
    tie = (key_row == keyp) & (jj < ii)
    rank_col = jnp.sum((gt | tie).astype(jnp.float32), axis=1,
                       keepdims=True).astype(jnp.int32)

    onehot = (rank_col == jj).astype(jnp.float32)

    iota_i = lax.broadcasted_iota(
        jnp.int32, (_SP, _SEL), 0).astype(jnp.float32)
    perm_row = jnp.sum(onehot[:, :_SEL] * iota_i,
                       axis=0, keepdims=True)
    gidx_ref[...] = (perm_row.astype(jnp.int32)
                     + n * _S).reshape(1, 1, _SEL)

    sorted_logits = lax.dot_general(
        onehot[:_S, :_S], logits, (((0,), (0,)), ((), ())),
        preferred_element_type=jnp.float32)
    preds1_ref[...] = sorted_logits[:_SEL].reshape(1, _SEL, _K)
    preds0_ref[...] = sorted_logits[_SEL:].reshape(1, _S - _SEL, _K)


def _compute(xt, w, b2d, keys):
    n = xt.shape[0]
    return pl.pallas_call(
        _compute_body,
        grid=(n,),
        in_specs=[
            pl.BlockSpec((1, _S, _C), lambda i: (i, 0, 0)),
            pl.BlockSpec((_K, _C), lambda i: (0, 0)),
            pl.BlockSpec((1, _K), lambda i: (0, 0)),
            pl.BlockSpec((1, _S, 1), lambda i: (i, 0, 0)),
        ],
        out_specs=[
            pl.BlockSpec((1, _SEL, _K), lambda i: (i, 0, 0)),
            pl.BlockSpec((1, _S - _SEL, _K), lambda i: (i, 0, 0)),
            pl.BlockSpec((1, 1, _SEL), lambda i: (i, 0, 0)),
        ],
        out_shape=[
            jax.ShapeDtypeStruct((n, _SEL, _K), jnp.float32),
            jax.ShapeDtypeStruct((n, _S - _SEL, _K), jnp.float32),
            jax.ShapeDtypeStruct((n, 1, _SEL), jnp.int32),
        ],
    )(xt, w, b2d, keys)


_NW = 32
_BSEL = (16 * _SEL) // _NW


def _sc_gather(xt_flat, sel_idx):
    mesh = plsc.VectorSubcoreMesh(core_axis_name="c", subcore_axis_name="s")
    nsel = sel_idx.shape[0]

    @functools.partial(
        pl.kernel,
        mesh=mesh,
        out_type=jax.ShapeDtypeStruct((nsel, _C), jnp.float32),
        scratch_types=[
            pltpu.VMEM((_BSEL,), jnp.int32),
            pltpu.VMEM((_BSEL, _C), jnp.float32),
            pltpu.SemaphoreType.DMA,
        ],
    )
    def run(xt_hbm, sidx_hbm, sel_out, sidx_v, srows_v, sem_s):
        wid = lax.axis_index("s") * 2 + lax.axis_index("c")
        sbase = wid * _BSEL
        pltpu.sync_copy(sidx_hbm.at[pl.ds(sbase, _BSEL)], sidx_v)
        pltpu.async_copy(xt_hbm.at[sidx_v], srows_v, sem_s).wait()
        pltpu.sync_copy(srows_v, sel_out.at[pl.ds(sbase, _BSEL)])

    return run(xt_flat, sel_idx)


def kernel(x, W, b):
    n, c, h, wd = x.shape
    s = h * wd
    xt = jnp.transpose(x.reshape(n, c, s), (0, 2, 1))
    key_logits = xt @ W.T + b
    keys = jnp.max(jax.nn.softmax(key_logits, axis=-1), axis=-1)
    preds1, preds0, gidx = _compute(xt, W, b.reshape(1, _K),
                                    keys.reshape(n, s, 1))
    sel_idx = gidx.reshape(-1)
    sel_rows = _sc_gather(xt.reshape(n * s, c), sel_idx)
    selections = sel_rows.reshape(n, _SEL, c)
    return (selections, preds1, preds0)

# --- scband reference (transcript-rebuilt; emitter-appended) ---
"""Pipeline reference for scband-weakly-selector-11132555231968 (READ-ONLY COPY).

The authoritative reference and input builder live on the scoring server;
editing this copy changes nothing except your own understanding.
"""

import jax, jax.numpy as jnp
import numpy as np

IN_CHANNELS = 768
NUM_CLASSES = 200
NUM_SELECT = 128

def setup_inputs(seed: int = 0) -> dict:
    key = jax.random.key(seed)
    k1, k2, k3 = jax.random.split(key, 3)
    x = jax.random.normal(k1, (16, IN_CHANNELS, 24, 24), dtype=jnp.float32)
    W = jax.random.normal(k2, (NUM_CLASSES, IN_CHANNELS), dtype=jnp.float32) * 0.02
    b = jnp.zeros((NUM_CLASSES,), dtype=jnp.float32)
    return {"x": x, "W": W, "b": b}

def reference(x, W, b):
    N, C, H, Wd = x.shape
    # [N, C, H, W] -> [N, S, C]
    xt = jnp.transpose(x.reshape(N, C, H * Wd), (0, 2, 1))
    # classifier: Linear(in_channels, num_classes)
    logits = xt @ W.T + b
    probs = jax.nn.softmax(logits, axis=-1)
    # max class-probability per spatial token
    max_ids = jnp.max(probs, axis=-1)  # [N, S]
    # sort descending by confidence (argsort of negated values)
    ranks = jnp.argsort(-max_ids, axis=-1)  # [N, S]
    sel = ranks[:, :NUM_SELECT]
    rest = ranks[:, NUM_SELECT:]
    selections = jnp.take_along_axis(xt, sel[:, :, None], axis=1)      # [N, num_select, C]
    preds_1 = jnp.take_along_axis(logits, sel[:, :, None], axis=1)     # [N, num_select, num_classes]
    preds_0 = jnp.take_along_axis(logits, rest[:, :, None], axis=1)    # [N, S-num_select, num_classes]
    return (selections, preds_1, preds_0)

if __name__ == "__main__":
    import jax
    _d = setup_inputs()
    print(jax.jit(kernel)(*tuple(_d.values())))

</pallas_src>

<mosaic_0001>
#map = affine_map<(d0, d1) -> (0, 0)>
#map1 = affine_map<(d0, d1) -> (0)>
module attributes {stable_mosaic.version = 14 : i64} {
  func.func @run(%arg0: i32, %arg1: i32, %arg2: memref<9216x768xf32, #tpu.memory_space<hbm>>, %arg3: memref<2048xi32, #tpu.memory_space<hbm>>, %arg4: memref<2048x768xf32, #tpu.memory_space<hbm>>, %arg5: memref<64xi32, #tpu.memory_space<vmem>>, %arg6: memref<64x768xf32, #tpu.memory_space<vmem>>, %arg7: memref<!tpu.dma_semaphore, #tpu.memory_space<semaphore_mem>>) attributes {dimension_semantics = [#tpu.dimension_semantics<core_parallel>, #tpu.dimension_semantics<subcore_parallel>], iteration_bounds = array<i64: 2, 16>, scalar_prefetch = 0 : i64, scratch_operands = 3 : i64, tpu.core_type = #tpu.core_type<sc_vector_subcore>, window_params = [{transform_indices = #map}, {transform_indices = #map1}, {transform_indices = #map}]} {
    %mul3A = arith.constant 2 : i32
    %mul3A_0 = arith.muli %arg1, %mul3A : i32
    %add3A = arith.addi %mul3A_0, %arg0 : i32
    %mul3A_1 = arith.constant 64 : i32
    %mul3A_2 = arith.muli %add3A, %mul3A_1 : i32
    "tpu.region"() ({
      %run_scoped3A = tpu.sem_alloc : memref<!tpu.dma_semaphore, #tpu.memory_space<semaphore_mem>>
      %dma_start3A_7 = tpu.memref_slice %arg3[%mul3A_2] : memref<2048xi32, #tpu.memory_space<hbm>> -> memref<64xi32, #tpu.memory_space<hbm>>
      %dma_start3A_8 = tpu.memref_slice %arg3[%mul3A_2] : memref<2048xi32, #tpu.memory_space<hbm>> -> memref<64xi32, #tpu.memory_space<hbm>>
      tpu.enqueue_dma source(%dma_start3A_8 : memref<64xi32, #tpu.memory_space<hbm>>) target(%arg5 : memref<64xi32, #tpu.memory_space<vmem>>) target_semaphore(%run_scoped3A : memref<!tpu.dma_semaphore, #tpu.memory_space<semaphore_mem>>)
      %dma_wait3A_9 = tpu.memref_slice %arg3[%mul3A_2] : memref<2048xi32, #tpu.memory_space<hbm>> -> memref<64xi32, #tpu.memory_space<hbm>>
      %dma_wait3A_10 = tpu.memref_slice %arg3[%mul3A_2] : memref<2048xi32, #tpu.memory_space<hbm>> -> memref<64xi32, #tpu.memory_space<hbm>>
      tpu.wait_dma2 semaphore(%run_scoped3A : memref<!tpu.dma_semaphore, #tpu.memory_space<semaphore_mem>>) src(%dma_wait3A_10 : memref<64xi32, #tpu.memory_space<hbm>>) dst(%arg5 : memref<64xi32, #tpu.memory_space<vmem>>)
      tpu.yield
    }) : () -> ()
    %dma_start3A = arith.constant 0 : i32
    %dma_start3A_3 = arith.constant 0 : i32
    %dma_start3A_4 = tpu.memref_slice %arg2[%dma_start3A, %dma_start3A_3] : memref<9216x768xf32, #tpu.memory_space<hbm>> -> memref<9216x768xf32, #tpu.memory_space<hbm>>
    tpu.enqueue_indirect_dma source(%dma_start3A_4 : memref<9216x768xf32, #tpu.memory_space<hbm>>) target(%arg6 : memref<64x768xf32, #tpu.memory_space<vmem>>) offsets(%arg5 : memref<64xi32, #tpu.memory_space<vmem>>) semaphore(%arg7 : memref<!tpu.dma_semaphore, #tpu.memory_space<semaphore_mem>>)
    %dma_wait3A = arith.constant 0 : i32
    %dma_wait3A_5 = arith.constant 0 : i32
    %dma_wait3A_6 = tpu.memref_slice %arg2[%dma_wait3A, %dma_wait3A_5] : memref<9216x768xf32, #tpu.memory_space<hbm>> -> memref<9216x768xf32, #tpu.memory_space<hbm>>
    tpu.wait_indirect_dma semaphore(%arg7 : memref<!tpu.dma_semaphore, #tpu.memory_space<semaphore_mem>>) src(%dma_wait3A_6 : memref<9216x768xf32, #tpu.memory_space<hbm>>) dst(%arg6 : memref<64x768xf32, #tpu.memory_space<vmem>>)
    "tpu.region"() ({
      %run_scoped3A = tpu.sem_alloc : memref<!tpu.dma_semaphore, #tpu.memory_space<semaphore_mem>>
      %dma_start3A_7 = arith.constant 0 : i32
      %dma_start3A_8 = tpu.memref_slice %arg4[%mul3A_2, %dma_start3A_7] : memref<2048x768xf32, #tpu.memory_space<hbm>> -> memref<64x768xf32, #tpu.memory_space<hbm>>
      %dma_start3A_9 = arith.constant 0 : i32
      %dma_start3A_10 = tpu.memref_slice %arg4[%mul3A_2, %dma_start3A_9] : memref<2048x768xf32, #tpu.memory_space<hbm>> -> memref<64x768xf32, #tpu.memory_space<hbm>>
      tpu.enqueue_dma source(%arg6 : memref<64x768xf32, #tpu.memory_space<vmem>>) target(%dma_start3A_10 : memref<64x768xf32, #tpu.memory_space<hbm>>) target_semaphore(%run_scoped3A : memref<!tpu.dma_semaphore, #tpu.memory_space<semaphore_mem>>)
      %dma_wait3A_11 = arith.constant 0 : i32
      %dma_wait3A_12 = tpu.memref_slice %arg4[%mul3A_2, %dma_wait3A_11] : memref<2048x768xf32, #tpu.memory_space<hbm>> -> memref<64x768xf32, #tpu.memory_space<hbm>>
      %dma_wait3A_13 = arith.constant 0 : i32
      %dma_wait3A_14 = tpu.memref_slice %arg4[%mul3A_2, %dma_wait3A_13] : memref<2048x768xf32, #tpu.memory_space<hbm>> -> memref<64x768xf32, #tpu.memory_space<hbm>>
      tpu.wait_dma2 semaphore(%run_scoped3A : memref<!tpu.dma_semaphore, #tpu.memory_space<semaphore_mem>>) src(%arg6 : memref<64x768xf32, #tpu.memory_space<vmem>>) dst(%dma_wait3A_14 : memref<64x768xf32, #tpu.memory_space<hbm>>)
      tpu.yield
    }) : () -> ()
    return
  }
}

module attributes {stable_mosaic.version = 14 : i64} {
  func.func @_compute_body(%arg0: i32, %arg1: memref<1x576x768xf32, #tpu.memory_space<vmem>>, %arg2: memref<200x768xf32, #tpu.memory_space<vmem>>, %arg3: memref<1x200xf32, #tpu.memory_space<vmem>>, %arg4: memref<1x576x1xf32, #tpu.memory_space<vmem>>, %arg5: memref<1x128x200xf32, #tpu.memory_space<vmem>>, %arg6: memref<1x448x200xf32, #tpu.memory_space<vmem>>, %arg7: memref<1x1x128xi32, #tpu.memory_space<vmem>>) attributes {dimension_semantics = [#tpu.dimension_semantics<arbitrary>], iteration_bounds = array<i64: 16>, scalar_prefetch = 0 : i64, scratch_operands = 0 : i64, tpu.core_type = #tpu.core_type<tc>, window_params = [{transform_indices = @transform_0, window_bounds = array<i64: 1, 576, 768>}, {pipeline_mode = #tpu.pipeline_mode<synchronous>, transform_indices = @transform_1, window_bounds = array<i64: 200, 768>}, {pipeline_mode = #tpu.pipeline_mode<synchronous>, transform_indices = @transform_2, window_bounds = array<i64: 1, 200>}, {transform_indices = @transform_3, window_bounds = array<i64: 1, 576, 1>}, {transform_indices = @transform_4, window_bounds = array<i64: 1, 128, 200>}, {transform_indices = @transform_5, window_bounds = array<i64: 1, 448, 200>}, {transform_indices = @transform_6, window_bounds = array<i64: 1, 1, 128>}]} {
    %get3A = arith.constant 0 : index
    %get3A_0 = arith.constant 0 : index
    %get3A_1 = arith.constant 0 : index
    %get3A_2 = vector.load %arg1[%get3A, %get3A_0, %get3A_1] : memref<1x576x768xf32, #tpu.memory_space<vmem>>, vector<1x576x768xf32>
    %get3A_3 = vector.shape_cast %get3A_2 : vector<1x576x768xf32> to vector<576x768xf32>
    %get3A_4 = arith.constant 0 : index
    %get3A_5 = arith.constant 0 : index
    %get3A_6 = vector.load %arg2[%get3A_4, %get3A_5] : memref<200x768xf32, #tpu.memory_space<vmem>>, vector<200x768xf32>
    %dot_general3A = arith.constant dense<0.000000e+00> : vector<576x200xf32>
    %dot_general3A_7 = tpu.matmul %get3A_3, %get3A_6, %dot_general3A {dimension_numbers = #tpu.dot_dimension_numbers<[1], [1], [0], [0], [0, 0, 1, 0], [], []>, transpose_lhs_hint = false} : vector<576x768xf32>, vector<200x768xf32>, vector<576x200xf32> -> vector<576x200xf32>
    %get3A_8 = arith.constant 0 : index
    %get3A_9 = arith.constant 0 : index
    %get3A_10 = vector.load %arg3[%get3A_8, %get3A_9] : memref<1x200xf32, #tpu.memory_space<vmem>>, vector<1x200xf32>
    %add3A = vector.broadcast %get3A_10 : vector<1x200xf32> to vector<576x200xf32>
    %add3A_11 = arith.addf %dot_general3A_7, %add3A : vector<576x200xf32>
    %get3A_12 = arith.constant 0 : index
    %get3A_13 = arith.constant 0 : index
    %get3A_14 = arith.constant 0 : index
    %get3A_15 = vector.load %arg4[%get3A_12, %get3A_13, %get3A_14] : memref<1x576x1xf32, #tpu.memory_space<vmem>>, vector<1x576x1xf32>
    %get3A_16 = vector.shape_cast %get3A_15 : vector<1x576x1xf32> to vector<576x1xf32>
    %broadcast_in_dim3A = arith.constant -1.000000e+30 : f32
    %broadcast_in_dim3A_17 = vector.broadcast %broadcast_in_dim3A : f32 to vector<64x1xf32>
    %concatenate3A = tpu.concatenate %get3A_16, %broadcast_in_dim3A_17 in 0 : vector<576x1xf32>, vector<64x1xf32> -> vector<640x1xf32>
    %iota3A = tpu.iota {dimensions = array<i32: 0>} : vector<640x640xi32>
    %iota3A_18 = tpu.iota {dimensions = array<i32: 1>} : vector<640x640xi32>
    %eq3A = arith.cmpi eq, %iota3A, %iota3A_18 : vector<640x640xi32>
    %convert_element_type3A = arith.extui %eq3A : vector<640x640xi1> to vector<640x640xi32>
    %convert_element_type3A_19 = arith.sitofp %convert_element_type3A : vector<640x640xi32> to vector<640x640xf32>
    %dot_general3A_20 = arith.constant dense<0.000000e+00> : vector<1x640xf32>
    %dot_general3A_21 = tpu.matmul %concatenate3A, %convert_element_type3A_19, %dot_general3A_20 {dimension_numbers = #tpu.dot_dimension_numbers<[0], [0], [1], [1], [0, 1, 1, 1], [], []>, precision = #tpu.contract_precision<fp32>, transpose_lhs_hint = false} : vector<640x1xf32>, vector<640x640xf32>, vector<1x640xf32> -> vector<1x640xf32>
    %gt3A = vector.broadcast %dot_general3A_21 : vector<1x640xf32> to vector<640x640xf32>
    %gt3A_22 = vector.broadcast %concatenate3A : vector<640x1xf32> to vector<640x640xf32>
    %gt3A_23 = arith.cmpf ogt, %gt3A, %gt3A_22 : vector<640x640xf32>
    %eq3A_24 = vector.broadcast %dot_general3A_21 : vector<1x640xf32> to vector<640x640xf32>
    %eq3A_25 = vector.broadcast %concatenate3A : vector<640x1xf32> to vector<640x640xf32>
    %eq3A_26 = arith.cmpf oeq, %eq3A_24, %eq3A_25 : vector<640x640xf32>
    %lt3A = arith.cmpi slt, %iota3A_18, %iota3A : vector<640x640xi32>
    %and3A = arith.andi %eq3A_26, %lt3A : vector<640x640xi1>
    %or3A = arith.ori %gt3A_23, %and3A : vector<640x640xi1>
    %convert_element_type3A_27 = arith.extui %or3A : vector<640x640xi1> to vector<640x640xi32>
    %convert_element_type3A_28 = arith.sitofp %convert_element_type3A_27 : vector<640x640xi32> to vector<640x640xf32>
    %reduce_sum3A = arith.constant dense<0.000000e+00> : vector<640xf32>
    %reduce_sum3A_29 = vector.multi_reduction <add>, %convert_element_type3A_28, %reduce_sum3A [1] : vector<640x640xf32> to vector<640xf32>
    %broadcast_in_dim3A_30 = vector.shape_cast %reduce_sum3A_29 : vector<640xf32> to vector<640x1xf32>
    %convert_element_type3A_31 = arith.fptosi %broadcast_in_dim3A_30 : vector<640x1xf32> to vector<640x1xi32>
    %eq3A_32 = vector.broadcast %convert_element_type3A_31 : vector<640x1xi32> to vector<640x640xi32>
    %eq3A_33 = arith.cmpi eq, %eq3A_32, %iota3A_18 : vector<640x640xi32>
    %convert_element_type3A_34 = arith.extui %eq3A_33 : vector<640x640xi1> to vector<640x640xi32>
    %convert_element_type3A_35 = arith.sitofp %convert_element_type3A_34 : vector<640x640xi32> to vector<640x640xf32>
    %iota3A_36 = tpu.iota {dimensions = array<i32: 0>} : vector<640x128xi32>
    %convert_element_type3A_37 = arith.sitofp %iota3A_36 : vector<640x128xi32> to vector<640x128xf32>
    %slice3A = vector.extract_strided_slice %convert_element_type3A_35 {offsets = [0, 0], sizes = [640, 128], strides = [1, 1]} : vector<640x640xf32> to vector<640x128xf32>
    %mul3A = arith.mulf %slice3A, %convert_element_type3A_37 : vector<640x128xf32>
    %reduce_sum3A_38 = arith.constant dense<0.000000e+00> : vector<128xf32>
    %reduce_sum3A_39 = vector.multi_reduction <add>, %mul3A, %reduce_sum3A_38 [0] : vector<640x128xf32> to vector<128xf32>
    %broadcast_in_dim3A_40 = vector.shape_cast %reduce_sum3A_39 : vector<128xf32> to vector<1x128xf32>
    %convert_element_type3A_41 = arith.fptosi %broadcast_in_dim3A_40 : vector<1x128xf32> to vector<1x128xi32>
    %mul3A_42 = arith.constant 576 : i32
    %mul3A_43 = arith.muli %arg0, %mul3A_42 : i32
    %add3A_44 = vector.broadcast %mul3A_43 : i32 to vector<1x128xi32>
    %add3A_45 = arith.addi %convert_element_type3A_41, %add3A_44 : vector<1x128xi32>
    %reshape3A = vector.shape_cast %add3A_45 : vector<1x128xi32> to vector<1x1x128xi32>
    %swap3A = arith.constant 0 : index
    %swap3A_46 = arith.constant 0 : index
    %swap3A_47 = arith.constant 0 : index
    %swap3A_48 = vector.load %arg7[%swap3A, %swap3A_46, %swap3A_47] : memref<1x1x128xi32, #tpu.memory_space<vmem>>, vector<1x1x128xi32>
    tpu.vector_store %arg7[%swap3A, %swap3A_46, %swap3A_47], %reshape3A {strides = array<i32>} : memref<1x1x128xi32, #tpu.memory_space<vmem>>, vector<1x1x128xi32>,
    %slice3A_49 = vector.extract_strided_slice %convert_element_type3A_35 {offsets = [0, 0], sizes = [576, 576], strides = [1, 1]} : vector<640x640xf32> to vector<576x576xf32>
    %dot_general3A_50 = arith.constant dense<0.000000e+00> : vector<576x200xf32>
    %dot_general3A_51 = tpu.matmul %slice3A_49, %add3A_11, %dot_general3A_50 {dimension_numbers = #tpu.dot_dimension_numbers<[0], [0], [1], [1], [0, 1, 1, 1], [], []>, transpose_lhs_hint = false} : vector<576x576xf32>, vector<576x200xf32>, vector<576x200xf32> -> vector<576x200xf32>
    %slice3A_52 = vector.extract_strided_slice %dot_general3A_51 {offsets = [0, 0], sizes = [128, 200], strides = [1, 1]} : vector<576x200xf32> to vector<128x200xf32>
    %reshape3A_53 = vector.shape_cast %slice3A_52 : vector<128x200xf32> to vector<1x128x200xf32>
    %swap3A_54 = arith.constant 0 : index
    %swap3A_55 = arith.constant 0 : index
    %swap3A_56 = arith.constant 0 : index
    %swap3A_57 = vector.load %arg5[%swap3A_54, %swap3A_55, %swap3A_56] : memref<1x128x200xf32, #tpu.memory_space<vmem>>, vector<1x128x200xf32>
    tpu.vector_store %arg5[%swap3A_54, %swap3A_55, %swap3A_56], %reshape3A_53 {strides = array<i32>} : memref<1x128x200xf32, #tpu.memory_space<vmem>>, vector<1x128x200xf32>,
    %slice3A_58 = vector.extract_strided_slice %dot_general3A_51 {offsets = [128, 0], sizes = [448, 200], strides = [1, 1]} : vector<576x200xf32> to vector<448x200xf32>
    %reshape3A_59 = vector.shape_cast %slice3A_58 : vector<448x200xf32> to vector<1x448x200xf32>
    %swap3A_60 = arith.constant 0 : index
    %swap3A_61 = arith.constant 0 : index
    %swap3A_62 = arith.constant 0 : index
    %swap3A_63 = vector.load %arg6[%swap3A_60, %swap3A_61, %swap3A_62] : memref<1x448x200xf32, #tpu.memory_space<vmem>>, vector<1x448x200xf32>
    tpu.vector_store %arg6[%swap3A_60, %swap3A_61, %swap3A_62], %reshape3A_59 {strides = array<i32>} : memref<1x448x200xf32, #tpu.memory_space<vmem>>, vector<1x448x200xf32>,
    return
  }
  func.func @transform_0(%arg0: i32) -> (i32, i32, i32) {
    %c0_i32 = arith.constant 0 : i32
    %c0_i32_0 = arith.constant 0 : i32
    %c0_i32_1 = arith.constant 0 : i32
    return %arg0, %c0_i32, %c0_i32_0 : i32, i32, i32
  }
  func.func @transform_1(%arg0: i32) -> (i32, i32) {
    %c0_i32 = arith.constant 0 : i32
    %c0_i32_0 = arith.constant 0 : i32
    %c0_i32_1 = arith.constant 0 : i32
    return %c0_i32, %c0_i32_0 : i32, i32
  }
  func.func @transform_2(%arg0: i32) -> (i32, i32) {
    %c0_i32 = arith.constant 0 : i32
    %c0_i32_0 = arith.constant 0 : i32
    %c0_i32_1 = arith.constant 0 : i32
    return %c0_i32, %c0_i32_0 : i32, i32
  }
  func.func @transform_3(%arg0: i32) -> (i32, i32, i32) {
    %c0_i32 = arith.constant 0 : i32
    %c0_i32_0 = arith.constant 0 : i32
    %c0_i32_1 = arith.constant 0 : i32
    return %arg0, %c0_i32, %c0_i32_0 : i32, i32, i32
  }
  func.func @transform_4(%arg0: i32) -> (i32, i32, i32) {
    %c0_i32 = arith.constant 0 : i32
    %c0_i32_0 = arith.constant 0 : i32
    %c0_i32_1 = arith.constant 0 : i32
    return %arg0, %c0_i32, %c0_i32_0 : i32, i32, i32
  }
  func.func @transform_5(%arg0: i32) -> (i32, i32, i32) {
    %c0_i32 = arith.constant 0 : i32
    %c0_i32_0 = arith.constant 0 : i32
    %c0_i32_1 = arith.constant 0 : i32
    return %arg0, %c0_i32, %c0_i32_0 : i32, i32, i32
  }
  func.func @transform_6(%arg0: i32) -> (i32, i32, i32) {
    %c0_i32 = arith.constant 0 : i32
    %c0_i32_0 = arith.constant 0 : i32
    %c0_i32_1 = arith.constant 0 : i32
    return %arg0, %c0_i32, %c0_i32_0 : i32, i32, i32
  }
}

</mosaic_0001>

<sc_bundles>
// kernel: kernel.4.cloned.1.call-start
scs
__scs_entry_jumppad:
0x0: {  	(pc) =	sbr.rel $0x88, $3  }
0x1: {  	(tag) =	ssettag $0x0;
	lr =	simm.s32 $0x1  }
0x2: {  	[smem:$0x3F9E] =	sst lr;
	_ =	strace $0xD0000000  }
0x3: {  	_ = 	snop  }
0x4: {  	_ = 	snop  }
0x5: {  	_ = 	snop  }
0x6: {  	_ = 	snop  }
0x7: {  	_ = 	snop  }
__scs_overlays_trampoline_lowered:
0x8: {  	[smem:$0x3FAD] =	sst s0  }
0x9: {  	[smem:$0x3FAE] =	sst s1  }
0xa: {  	[smem:$0x3FAF] =	sst s2  }
0xb: {  	[smem:$0x3FB0] =	sst s3  }
0xc: {  	[smem:$0x3FB1] =	sst s4  }
0xd: {  	[smem:$0x3FB2] =	sst s5  }
0xe: {  	[smem:$0x3FB3] =	sst s6  }
0xf: {  	[smem:$0x3FB4] =	sst s7  }
0x10: {  	[smem:$0x3FB5] =	sst s8  }
0x11: {  	[smem:$0x3FB6] =	sst s9;
	s0 =	simm.s32 @!p0 $0x0  }
0x12: {  	s1 =	sld [smem:$0x3F9C];
	s0 =	simm.s32 @p0 $0x1  }
0x13: {  	[smem:$0x3FB7] =	sst s0;
	s0 =	simm.s32 @!p1 $0x0  }
0x14: {  	s2 =	sld [smem:$0x3F9B];
	s0 =	simm.s32 @p1 $0x1  }
0x15: {  	[smem:$0x3FB8] =	sst s0;
	s0 =	simm.s32 @!p2 $0x0  }
0x16: {  	s3 =	sld [smem:$0x3FDB];
	s0 =	simm.s32 @p2 $0x1  }
0x17: {  	s4 =	simm.s32 $0x1BF5;
	[smem:$0x3FBA] =	sst s0  }
0x18: {  	s0 =	sld [smem:$0x3F9D];
	_ =	swait.ge [sflag:s4], $0x0  }
0x19: {  	s7 =	sld [smem:$0x3F9E]  }
0x1a: {  	s8 =	sadd.s32 $0xFFFFE003, lr  }
0x1b: {  	s9 =	sadd.s32 $0xFFFFFEF7, lr;
	s5 =	simm.s32 $0xFFFFFFFF;
	p2 =	slt.u32 s8, $0xFFFFF086  }
0x1c: {  	p1 =	slt.u32 s9, $0xF7A;
	s5 =	simm.s32 @!p2 $0x0  }
0x1d: {  	s5 =	simm.s32 @p1 $0x1;
	p0 =	seq.s32 s7, s2  }
0x1e: {  	s7 =	smul.u32 @!p0 $0xF7A, s2;
	p2 =	seq.s32 @!p0 s5, $0x0  }
0x1f: {  	s9 =	smul.u32 $0xF7A, s1;
	s8 =	simm.s32 @!p0 $0x1BF5;
	p2 =	por !p2, p0  }
0x20: {  	[sflag:s8] =	ssyncset.s32 @!p0 $0xFFFFF086;
	s6 =	sadd.s32 @!p0 s3, s7;
	s7 =	simm.s32 @!p0 $0x108  }
0x21: {  	s3 =	sadd.s32 s3, s9;
	s6 =	sadd.s32 @!p0 $0x88, s6;
	s7 =	simm.s32 @p2 $0x1082  }
0x22: {  	[simem:s7], [sflag:s8] =	dma.local @!p0 [hbm:s6], $0xF7A  }
0x23: {  	s9 =	sor.u32 $0xD0000000, s2;
	s6 =	simm.s32 $0x108;
	_ =	swait.ge @!p0 [sflag:s8], $0x0  }
0x24: {  	s3 =	sadd.s32 $0x88, s3;
	s6 =	simm.s32 @!p1 $0x1082;
	[sflag:s4] =	ssyncset.s32 $0xFFFFF086  }
0x25: {  	[simem:s6], [sflag:s4] =	dma.local [hbm:s3], $0xF7A  }
0x26: {  	[smem:$0x3F9E] =	sst s1;
	(tag) =	ssettag s2;
	_ =	strace s9  }
0x27: {  	s1 =	sld [smem:$0x3FAE]  }
0x28: {  	s2 =	sld [smem:$0x3FAF]  }
0x29: {  	s4 =	sld [smem:$0x3FB1]  }
0x2a: {  	p0 =	seq.s32 s5, $0x0;
	s5 =	sld [smem:$0x3FB2]  }
0x2b: {  	s6 =	sld [smem:$0x3FB3]  }
0x2c: {  	s7 =	sld [smem:$0x3FB4]  }
0x2d: {  	s3 =	simm.s32 $0x108;
	s8 =	sld [smem:$0x3FB5]  }
0x2e: {  	s3 =	simm.s32 @!p0 $0x1082;
	s9 =	sld [smem:$0x3FB6]  }
0x2f: {  	lr =	sadd.s32 s0, s3;
	s0 =	sld [smem:$0x3FAD]  }
0x30: {  	s3 =	sld [smem:$0x3FB0]  }
0x31: {  	[smem:$0x3FB9] =	sst s10  }
0x32: {  	s10 =	sld [smem:$0x3FB7];
	_ =	sdelay $0x3  }
0x33: {  	p0 =	seq.s32 s10, $0x1;
	s10 =	sld [smem:$0x3FB9];
	_ =	sdelay $0x3  }
0x34: {  	[smem:$0x3FB9] =	sst s10  }
0x35: {  	s10 =	sld [smem:$0x3FB8];
	_ =	sdelay $0x3  }
0x36: {  	p1 =	seq.s32 s10, $0x1;
	s10 =	sld [smem:$0x3FB9];
	_ =	sdelay $0x3  }
0x37: {  	[smem:$0x3FB9] =	sst s10  }
0x38: {  	s10 =	sld [smem:$0x3FBA]  }
0x39: {  	_ = 	snop;
	(pc) =	sbr.ind lr, $3  }
0x3a: {  	_ = 	snop  }
0x3b: {  	_ = 	snop  }
0x3c: {  	p2 =	seq.s32 s10, $0x1;
	s10 =	sld [smem:$0x3FB9]  }
0x3d: {  	_ =	shalt  }
0x3e: {  	_ =	shalt  }
0x3f: {  	_ =	shalt  }
0x40: {  	_ =	shalt  }
0x41: {  	_ =	shalt  }
0x42: {  	_ =	shalt  }
0x43: {  	_ =	shalt  }
0x44: {  	_ =	shalt  }
0x45: {  	_ =	shalt  }
0x46: {  	_ =	shalt  }
0x47: {  	_ =	shalt  }
0x48: {  	_ =	shalt  }
0x49: {  	_ =	shalt  }
0x4a: {  	_ =	shalt  }
0x4b: {  	_ =	shalt  }
0x4c: {  	_ =	shalt  }
0x4d: {  	_ =	shalt  }
0x4e: {  	_ =	shalt  }
0x4f: {  	_ =	shalt  }
0x50: {  	_ =	shalt  }
0x51: {  	_ =	shalt  }
0x52: {  	_ =	shalt  }
0x53: {  	_ =	shalt  }
0x54: {  	_ =	shalt  }
0x55: {  	_ =	shalt  }
0x56: {  	_ =	shalt  }
0x57: {  	_ =	shalt  }
0x58: {  	_ =	shalt  }
0x59: {  	_ =	shalt  }
0x5a: {  	_ =	shalt  }
0x5b: {  	_ =	shalt  }
0x5c: {  	_ =	shalt  }
0x5d: {  	_ =	shalt  }
0x5e: {  	_ =	shalt  }
0x5f: {  	_ =	shalt  }
0x60: {  	_ =	shalt  }
0x61: {  	_ =	shalt  }
0x62: {  	_ =	shalt  }
0x63: {  	_ =	shalt  }
0x64: {  	_ =	shalt  }
0x65: {  	_ =	shalt  }
0x66: {  	_ =	shalt  }
0x67: {  	_ =	shalt  }
0x68: {  	_ =	shalt  }
0x69: {  	_ =	shalt  }
0x6a: {  	_ =	shalt  }
0x6b: {  	_ =	shalt  }
0x6c: {  	_ =	shalt  }
0x6d: {  	_ =	shalt  }
0x6e: {  	_ =	shalt  }
0x6f: {  	_ =	shalt  }
0x70: {  	_ =	shalt  }
0x71: {  	_ =	shalt  }
0x72: {  	_ =	shalt  }
0x73: {  	_ =	shalt  }
0x74: {  	_ =	shalt  }
0x75: {  	_ =	shalt  }
0x76: {  	_ =	shalt  }
0x77: {  	_ =	shalt  }
0x78: {  	_ =	shalt  }
0x79: {  	_ =	shalt  }
0x7a: {  	_ =	shalt  }
0x7b: {  	_ =	shalt  }
0x7c: {  	_ =	shalt  }
0x7d: {  	_ =	shalt  }
0x7e: {  	_ =	shalt  }
0x7f: {  	_ =	shalt  }
0x80: {  	_ =	shalt  }
0x81: {  	_ =	shalt  }
0x82: {  	_ =	shalt  }
0x83: {  	_ =	shalt  }
0x84: {  	_ =	shalt  }
0x85: {  	_ =	shalt  }
0x86: {  	_ =	shalt  }
0x87: {  	_ =	shalt  }
.Lfunc_end0:
.L_simem_size_0:
called_computation_lowered:
.L_overlay_start_0:
0x88: {  	s2 =	sld [smem:$0x3FD9]  }
0x89: {  	s3 =	sld [smem:$0x3FFE];
	_ =	sdelay $0x1  }
0x8a: {  	s1 =	srdreg.scid  }
0x8b: {  	s0 =	sand.u32 $0x1, s1  }
0x8c: {  	s14 =	sshll.u32 s0, $0xA;
	s2 =	sadd.s32 s3, s2  }
0x8d: {  	s2 =	sadd.s32 s2, s14  }
0x8e: {  	[smem:$0x3FC5] =	sst s2  }
0x8f: {  	_ = 	snop  }
0x90: {  	s2 =	sld [smem:$0x3FD0];
	_ =	sdelay $0x2  }
0x91: {  	s4 =	simm.s32 $0xA;
	s5 =	simm.s32 $0x10;
	s15 =	sld [smem:$0x3FC9]  }
0x92: {  	[smem:s5], [sflag:s4] =	dma.local [hbm:s2], $0x1  }
0x93: {  	_ =	swait.eq [sflag:s4], $0x1  }
0x94: {  	[sflag:s4] =	ssyncset.done $0x0  }
0x95: {  	[sflag:s4] =	ssyncadd.s32 $0xFFFFFFFF  }
0x96: {  	s16 =	sld [smem:$0x10];
	(tm) =	ssettm $0x1  }
0x97: {  	s17 =	sld [smem:$0x3FFB];
	_ =	sdelay $0x3  }
0x98: {  	_ =	strace s17  }
0x99: {  	s4 =	sld [smem:$0x3FFC];
	_ =	sdelay $0x3  }
0x9a: {  	_ =	strace s4  }
0x9b: {  	s4 =	sld [smem:$0x3FFD];
	_ =	sdelay $0x3  }
0x9c: {  	_ =	strace s4  }
0x9d: {  	_ =	strace $0x8FFFFFFF  }
0x9e: {  	s18 =	sld [smem:$0x3FDB];
	_ =	sdelay $0x1  }
0x9f: {  	s19 =	simm.s32 $_scs_section_size  }
0xa0: {  	s6 =	simm.s32 $_size__tile_overlayer_lowered;
	s7 =	simm.s32 $_tile_overlayer_lowered  }
0xa1: {  	s22 =	simm.s32 $0x1BFF;
	s21 =	sshll.u32 s7, $0x1;
	s4 =	sadd.s32 s19, s18  }
0xa2: {  	s8 =	simm.s32 $0x0;
	s20 =	sshll.u32 s6, $0x1;
	s6 =	sadd.s32 s21, s4  }
0xa3: {  	[timem:s8], [sflag:s22] =	dma.local [hbm:s6], s20  }
0xa4: {  	_ =	swait.ge [sflag:s22], s20  }
0xa5: {  	s5 =	ssub.s32 $0x0, s20;
	[sflag:s22] =	ssyncset.done $0x0  }
0xa6: {  	[sflag:s22] =	ssyncadd.s32 s5;
	_ =	sdelay $0x1  }
0xa7: {  	s23 =	simm.s32 $0x1B8B  }
0xa8: {  	_ =	swait.ge [sflag:s23], $0x1  }
0xa9: {  	[sflag:s23] =	ssyncset.done $0x0  }
0xaa: {  	s25 =	simm.s32 $0x1B8E;
	s24 =	sld [smem:$0x3FFE];
	[sflag:s23] =	ssyncadd.s32 $0xFFFFFFFF  }
0xab: {  	s26 =	simm.s32 $execute0_lowered;
	[smem:$0x3FD2] =	sst s25  }
0xac: {  	s6 =	sshll.u32 s26, $0x1;
	_ =	strace $0x80000046;
	[dreg:$0x1] =	wrdreg $0xFFFFFFFF  }
0xad: {  	s28 =	simm.s32 $_size_execute0_lowered;
	s4 =	sadd.s32 s4, s6;
	[dreg:$0x0] =	wrdreg $0x0  }
0xae: {  	s6 =	sshll.u32 s28, $0x1;
	[dreg:$0x2] =	wrdreg s4  }
0xaf: {  	[dreg:$0x3] =	wrdreg s6  }
0xb0: {  	[dreg:$0x4] =	wrdreg $0xC0  }
0xb1: {  	_ =	task [dreg:s8], $0x5FFFF  }
0xb2: {  	[dreg:$0x1] =	wrdreg $0xFFFFFFFF  }
0xb3: {  	[dreg:$0x0] =	wrdreg $0x60  }
0xb4: {  	[dreg:$0x2] =	wrdreg s15  }
0xb5: {  	[dreg:$0x3] =	wrdreg s24  }
0xb6: {  	[dreg:$0x4] =	wrdreg s16  }
0xb7: {  	[dreg:$0x5] =	wrdreg $0x9  }
0xb8: {  	_ =	task.clear_ibuf [dreg:s8], $0x6FFFF;
	_ =	strace $0x90000046  }
0xb9: {  	s29 =	simm.s32 $0x9;
	_ =	strace $0x80000048  }
0xba: {  	_ =	swait.ge [sflag:s29], $0x1  }
0xbb: {  	[sflag:s29] =	ssyncadd.s32 $0xFFFFFFFF  }
0xbc: {  	_ =	strace $0x90000048  }
0xbd: {  	_ =	sfence  }
0xbe: {  	s30 =	sld [smem:$0x0];
	_ =	sdelay $0x2  }
0xbf: {  	s31 =	sshll.u32 s1, $0xD;
	s1 =	sshrl.u32 s1, $0x2  }
0xc0: {  	s3 =	sand.u32 $0x4000, s31;
	s1 =	sadd.s32 s1, s30  }
0xc1: {  	s0 =	sor.u32 s3, s0;
	s1 =	sshll.u32 s1, $0x11  }
0xc2: {  	s0 =	sor.u32 s1, s0  }
0xc3: {  	s0 =	sadd.s32 $0x8F2B, s0  }
0xc4: {  	[sflag:s0] =	ssyncadd.remote.s32 $0x1  }
0xc5: {  	_ =	sfence.sel $0xFFFF  }
0xc6: {  	[dreg:$0x0] =	wrdreg $0xFFFFFFFF;
	(pc) =	sbr.abs _section_cstart, $3  }
0xc7: {  	[dreg:$0x1] =	wrdreg $0xFFFFFFFF  }
0xc8: {  	_ =	task.clear_ibuf [dreg:s8], $0x2FFFF;
	_ =	strace $0x9FFFFFFF  }
0xc9: {  	(tm) =	ssettm $0x7FFFFFFF  }
tec
execute0_lowered:
.L_overlay_start_1:
0x0: {  	(tag) =	ssettag $0x1  }
0x1: {  	s2 =	rddreg [dreg:$0x0]  }
0x2: {  	s0 =	rddreg [dreg:$0x1];
	s3 =	srdreg.scid  }
0x3: {  	s5 =	rddreg [dreg:$0x2];
	s1 =	stileid.u32  }
0x4: {  	s26 =	simm.s32 $0x880;
	s9 =	simm.s32 $0x1080;
	s10 =	simm.s32 $0x1880  }
0x5: {  	s11 =	simm.s32 $0x2080;
	s12 =	simm.s32 $0x2880;
	s13 =	simm.s32 $0x3080  }
0x6: {  	s14 =	simm.s32 $0x3880;
	s15 =	simm.s32 $0x4080;
	s16 =	simm.s32 $0x4880  }
0x7: {  	s17 =	simm.s32 $0x5080;
	s18 =	simm.s32 $0x5880;
	s19 =	simm.s32 $0x6080  }
0x8: {  	s20 =	simm.s32 $0x6880;
	s21 =	simm.s32 $0x7080;
	s22 =	simm.s32 $0x7880  }
0x9: {  	s23 =	simm.s32 $0x8080;
	s28 =	simm.s32 $0xA080;
	s29 =	simm.s32 $0xA880  }
0xa: {  	s30 =	simm.s32 $0xB080;
	s31 =	simm.s32 $0xB880;
	s4 =	sand.u32 $0x1, s3  }
0xb: {  	s6 =	sshll.u32 s1, $0x4;
	s3 =	simm.s32 $0x0;
	s7 =	sshll.u32 s4, $0x3  }
0xc: {  	s4 =	ssub.s32 $0x2, s4;
	[smem:$0x7FF] =	sst s3;
	s6 =	sor.u32 s7, s6  }
0xd: {  	s24 =	sshrl.u32 s4, $0x1;
	_ =	strace $0x80000047;
	[dreg:$0x6] =	wrdreg s26  }
0xe: {  	s26 =	simm.s32 $0x9880;
	s8 =	smul.u32 $0x300, s6;
	s7 =	ssub.s32 s4, s24  }
0xf: {  	s0 =	sadd.s32 s0, s6;
	s4 =	sadd.s32 $0x100, s2;
	s24 =	simm.s32 $0x8880  }
0x10: {  	v2 =	vlaneseq.u32;
	[dreg:$0x4] =	wrdreg s0;
	s6 =	smax.u32 s7, $0x1;
	s7 =	simm.s32 $0x2  }
0x11: {  	vm0 =	vmmov $0xffff;
	v1 =	vshrl.u32 v2, $0x3;
	s0 =	simm.s32 $0x1;
	s25 =	sadd.s32 s5, s8;
	s5 =	sadd.s32 $0x200, s2  }
0x12: {  	v0 =	vand.u32 $0x7, v2;
	v2 =	vor.u32 $0x8, v2;
	v1 =	vmul.u32 $0x8, v1;
	s8 =	simm.s32 $0x80;
	[dreg:$0x5] =	wrdreg s25;
	s25 =	simm.s32 $0x9080  }
.LBB2_1:
0x13: {  	s1 =	rddreg [dreg:$0x4]  }
0x14: {  	[tilespmem:s3], [sflag:$0x2] =	stream.linear.gather [hbm4b:s1+s3], $0x40, $0x38;
	[tilespmem:$0xC080] =	vst v63  }
0x15: {  	_ =	swait.ge [sflag:s7], $0x40  }
0x16: {  	[sflag:s7] =	ssyncset.done $0x0  }
0x17: {  	[sflag:s7] =	ssyncadd.s32 $0xFFFFFFC0  }
0x18: {  	v3 =	vld [tilespmem:$0x0];
	_ =	sdelay $0x4  }
0x19: {  	v4 =	vshrl.u32 v3, $0x3  }
0x1a: {  	v4 =	vmul.u32 $0x30, v4  }
0x1b: {  	v3 =	vand.u32 $0x7, v3  }
0x1c: {  	v3 =	vor.u32 v3, v4  }
0x1d: {  	v4 =	vperm.xlane v3, v0;
	_ =	sdelay $0x1  }
0x1e: {  	v4 =	vadd.s32 v1, v4;
	_ =	sdelay $0x3  }
0x1f: {  	v3 =	vperm.xlane v3, v2  }
0x20: {  	[tilespmem:s8], [sflag:$0x1] =	stream.indirect_vreg.gather [hbm4b:s2+s3], $0x80, v4, vm0, $0xb8;
	[tilespmem:$0xC080] =	vst v63  }
0x21: {  	s1 =	rddreg [dreg:$0x6];
	v3 =	vadd.s32 v1, v3  }
0x22: {  	[tilespmem:s1], [sflag:$0x1] =	stream.indirect_vreg.gather [hbm4b:s4+s3], $0x80, v4, vm0, $0xb8;
	[tilespmem:$0xC080] =	vst v63  }
0x23: {  	_ = 	snop  }
0x24: {  	[tilespmem:s9], [sflag:$0x1] =	stream.indirect_vreg.gather [hbm4b:s5+s3], $0x80, v4, vm0, $0xb8;
	[tilespmem:$0xC080] =	vst v63  }
0x25: {  	_ = 	snop  }
0x26: {  	[tilespmem:s10], [sflag:$0x1] =	stream.indirect_vreg.gather [hbm4b:s2+s3], $0x80, v3, vm0, $0xb8;
	[tilespmem:$0xC080] =	vst v63  }
0x27: {  	_ = 	snop  }
0x28: {  	[tilespmem:s11], [sflag:$0x1] =	stream.indirect_vreg.gather [hbm4b:s4+s3], $0x80, v3, vm0, $0xb8;
	[tilespmem:$0xC080] =	vst v63  }
0x29: {  	_ = 	snop  }
0x2a: {  	[tilespmem:s12], [sflag:$0x1] =	stream.indirect_vreg.gather [hbm4b:s5+s3], $0x80, v3, vm0, $0xb8;
	[tilespmem:$0xC080] =	vst v63  }
0x2b: {  	v3 =	vld [tilespmem:$0x10];
	_ =	sdelay $0x4  }
0x2c: {  	v61 =	vshrl.u32 v3, $0x3  }
0x2d: {  	v4 =	vmul.u32 $0x30, v61  }
0x2e: {  	v3 =	vand.u32 $0x7, v3  }
0x2f: {  	v3 =	vor.u32 v3, v4  }
0x30: {  	v4 =	vperm.xlane v3, v0;
	_ =	sdelay $0x1  }
0x31: {  	v4 =	vadd.s32 v1, v4;
	_ =	sdelay $0x3  }
0x32: {  	v3 =	vperm.xlane v3, v2  }
0x33: {  	[tilespmem:s13], [sflag:$0x1] =	stream.indirect_vreg.gather [hbm4b:s2+s3], $0x80, v4, vm0, $0xb8;
	[tilespmem:$0xC080] =	vst v63  }
0x34: {  	v3 =	vadd.s32 v1, v3  }
0x35: {  	[tilespmem:s14], [sflag:$0x1] =	stream.indirect_vreg.gather [hbm4b:s4+s3], $0x80, v4, vm0, $0xb8;
	[tilespmem:$0xC080] =	vst v63  }
0x36: {  	_ = 	snop  }
0x37: {  	[tilespmem:s15], [sflag:$0x1] =	stream.indirect_vreg.gather [hbm4b:s5+s3], $0x80, v4, vm0, $0xb8;
	[tilespmem:$0xC080] =	vst v63  }
0x38: {  	_ = 	snop  }
0x39: {  	[tilespmem:s16], [sflag:$0x1] =	stream.indirect_vreg.gather [hbm4b:s2+s3], $0x80, v3, vm0, $0xb8;
	[tilespmem:$0xC080] =	vst v63  }
0x3a: {  	_ = 	snop  }
0x3b: {  	[tilespmem:s17], [sflag:$0x1] =	stream.indirect_vreg.gather [hbm4b:s4+s3], $0x80, v3, vm0, $0xb8;
	[tilespmem:$0xC080] =	vst v63  }
0x3c: {  	_ = 	snop  }
0x3d: {  	[tilespmem:s18], [sflag:$0x1] =	stream.indirect_vreg.gather [hbm4b:s5+s3], $0x80, v3, vm0, $0xb8;
	[tilespmem:$0xC080] =	vst v63  }
0x3e: {  	v3 =	vld [tilespmem:$0x20];
	_ =	sdelay $0x4  }
0x3f: {  	v62 =	vshrl.u32 v3, $0x3  }
0x40: {  	v4 =	vmul.u32 $0x30, v62  }
0x41: {  	v3 =	vand.u32 $0x7, v3  }
0x42: {  	v3 =	vor.u32 v3, v4  }
0x43: {  	v4 =	vperm.xlane v3, v0;
	_ =	sdelay $0x1  }
0x44: {  	v4 =	vadd.s32 v1, v4;
	_ =	sdelay $0x3  }
0x45: {  	v3 =	vperm.xlane v3, v2  }
0x46: {  	[tilespmem:s19], [sflag:$0x1] =	stream.indirect_vreg.gather [hbm4b:s2+s3], $0x80, v4, vm0, $0xb8;
	[tilespmem:$0xC080] =	vst v63  }
0x47: {  	v3 =	vadd.s32 v1, v3  }
0x48: {  	[tilespmem:s20], [sflag:$0x1] =	stream.indirect_vreg.gather [hbm4b:s4+s3], $0x80, v4, vm0, $0xb8;
	[tilespmem:$0xC080] =	vst v63  }
0x49: {  	_ = 	snop  }
0x4a: {  	[tilespmem:s21], [sflag:$0x1] =	stream.indirect_vreg.gather [hbm4b:s5+s3], $0x80, v4, vm0, $0xb8;
	[tilespmem:$0xC080] =	vst v63  }
0x4b: {  	_ = 	snop  }
0x4c: {  	[tilespmem:s22], [sflag:$0x1] =	stream.indirect_vreg.gather [hbm4b:s2+s3], $0x80, v3, vm0, $0xb8;
	[tilespmem:$0xC080] =	vst v63  }
0x4d: {  	_ = 	snop  }
0x4e: {  	[tilespmem:s23], [sflag:$0x1] =	stream.indirect_vreg.gather [hbm4b:s4+s3], $0x80, v3, vm0, $0xb8;
	[tilespmem:$0xC080] =	vst v63  }
0x4f: {  	_ = 	snop  }
0x50: {  	[tilespmem:s24], [sflag:$0x1] =	stream.indirect_vreg.gather [hbm4b:s5+s3], $0x80, v3, vm0, $0xb8;
	[tilespmem:$0xC080] =	vst v63  }
0x51: {  	v3 =	vld [tilespmem:$0x30];
	_ =	sdelay $0x4  }
0x52: {  	v63 =	vshrl.u32 v3, $0x3  }
0x53: {  	v4 =	vmul.u32 $0x30, v63  }
0x54: {  	v3 =	vand.u32 $0x7, v3  }
0x55: {  	v3 =	vor.u32 v3, v4  }
0x56: {  	v4 =	vperm.xlane v3, v0;
	_ =	sdelay $0x1  }
0x57: {  	v4 =	vadd.s32 v1, v4;
	_ =	sdelay $0x3  }
0x58: {  	v3 =	vperm.xlane v3, v2  }
0x59: {  	[tilespmem:s25], [sflag:$0x1] =	stream.indirect_vreg.gather [hbm4b:s2+s3], $0x80, v4, vm0, $0xb8;
	[tilespmem:$0xC080] =	vst v63  }
0x5a: {  	v3 =	vadd.s32 v1, v3  }
0x5b: {  	[tilespmem:s26], [sflag:$0x1] =	stream.indirect_vreg.gather [hbm4b:s4+s3], $0x80, v4, vm0, $0xb8;
	[tilespmem:$0xC080] =	vst v63  }
0x5c: {  	_ = 	snop  }
0x5d: {  	[tilespmem:s28], [sflag:$0x1] =	stream.indirect_vreg.gather [hbm4b:s5+s3], $0x80, v4, vm0, $0xb8;
	[tilespmem:$0xC080] =	vst v63  }
0x5e: {  	_ = 	snop  }
0x5f: {  	[tilespmem:s29], [sflag:$0x1] =	stream.indirect_vreg.gather [hbm4b:s2+s3], $0x80, v3, vm0, $0xb8;
	[tilespmem:$0xC080] =	vst v63  }
0x60: {  	_ = 	snop  }
0x61: {  	[tilespmem:s30], [sflag:$0x1] =	stream.indirect_vreg.gather [hbm4b:s4+s3], $0x80, v3, vm0, $0xb8;
	[tilespmem:$0xC080] =	vst v63  }
0x62: {  	_ = 	snop  }
0x63: {  	[tilespmem:s31], [sflag:$0x1] =	stream.indirect_vreg.gather [hbm4b:s5+s3], $0x80, v3, vm0, $0xb8;
	[tilespmem:$0xC080] =	vst v63  }
0x64: {  	_ =	swait.ge [sflag:s0], $0xC000  }
0x65: {  	p0 =	sne.s32 s6, $0x1;
	[sflag:s0] =	ssyncset.done $0x0  }
.Ltmp0:
0x66: {  	s1 =	rddreg [dreg:$0x5];
	[sflag:s0] =	ssyncadd.s32 $0xFFFF4000;
	(pc) =	sbr.rel @p0 .LBB2_1-.Ltmp0, $4  }
0x67: {  	[hbm4b:s1+s3] =	stream.linear.scatter [tilespmem:s8], [sflag:$0x2], $0xC000, $0x38;
	[tilespmem:$0xC080] =	vst v63  }
0x68: {  	_ =	swait.ge [sflag:s7], $0xC000  }
0x69: {  	[sflag:s7] =	ssyncset.done $0x0  }
0x6a: {  	s6 =	sadd.s32 $0xFFFFFFFF, s6;
	[sflag:s7] =	ssyncadd.s32 $0xFFFF4000  }
0x6b: {  	_ =	sfence.sel $0x180000  }
0x6c: {  	[bflag:$0x0] =	sbarrier.arrive $0xFFFF  }
0x6d: {  	_ =	strace $0x90000047  }
0x6e: {  	s0 =	stileid.u32;
	[bflag:$0x2] =	sbarrier.arrive $0xFFFF  }
0x6f: {  	p0 =	sne.s32 s0, $0x0;
	s0 =	rddreg [dreg:$0x3]  }
0x70: {  	s0 =	sadd.s32 @!p0 $0x100000, s0  }
0x71: {  	[sflag:s0] =	ssyncadd.tile.s32 @!p0 $0x1;
	_ =	shalt  }
.Lfunc_end2:
_tile_overlayer_lowered:
.L_overlay_start_2:
0x72: {  	(tag) =	ssettag $0x2  }
0x73: {  	s0 =	rddreg [dreg:$0x0];
	s2 =	stileid.u32  }
0x74: {  	s1 =	rddreg [dreg:$0x1];
	p0 =	sne.s32 s2, $0x0  }
0x75: {  	s3 =	rddreg [dreg:$0x2];
	[bflag:$0x3] =	sbarrier.arrive $0xFFFF;
	s2 =	simm.s32 @!p0 $0x1C02  }
0x76: {  	[timem:s3], [sflag:s2] =	dma.local @!p0 [hbm:s0], s1  }
0x77: {  	s0 =	simm.s32 @!p0 $0x2  }
0x78: {  	_ =	swait.ge @!p0 [sflag:s0], s1  }
0x79: {  	s1 =	ssub.s32 @!p0 $0x0, s1;
	[sflag:s0] =	ssyncset.done @!p0 $0x0  }
0x7a: {  	[sflag:s0] =	ssyncadd.s32 @!p0 s1  }
0x7b: {  	[bflag:$0x3] =	sbarrier.arrive $0xFFFF  }
0x7c: {  	_ =	shalt  }

</sc_bundles>
